<compile_context>
chip_gen: v7x
topology: tpu7x:2x2x1
jax: 0.10.2.dev20260603
libtpu: 0.0.44.dev20260713+nightly
codegen_flags: <defaults>
</compile_context>

<pallas_src>
import functools

import jax
import jax.numpy as jnp
from jax import lax
from jax.experimental import pallas as pl
from jax.experimental.pallas import tpu as pltpu

_NEG = -9000000000000000.0


def _attn_gconv_T_pass(zT_blk_ref, zT_ref, xT_ref, wc_ref, bcT_ref,
                       adjT_ref, adj1T_ref, y2T_ref, h2T_s):
    i = pl.program_id(0)

    @pl.when(i == 0)
    def _():
        h2T_s[...] = lax.dot_general(wc_ref[...],
                                     xT_ref[...].astype(jnp.float32),
                                     (((0,), (0,)), ((), ())),
                                     preferred_element_type=jnp.float32)

    aT = adjT_ref[...]
    sT = lax.dot_general(zT_ref[...], zT_blk_ref[...],
                         (((0,), (0,)), ((), ())),
                         preferred_element_type=jnp.float32)
    sT = jnp.where(aT > 0, sT, _NEG)
    m = jnp.max(sT, axis=0, keepdims=True)
    e = jnp.exp(sT - m)
    adj1T_ref[...] = e / jnp.sum(e, axis=0, keepdims=True)
    y2T_ref[...] = jnp.maximum(
        jnp.dot(h2T_s[...], aT, preferred_element_type=jnp.float32)
        + bcT_ref[...], 0.0)


def _masked_softmax_zzT(zT_blk, zT_full, mask):
    s = lax.dot_general(zT_blk, zT_full, (((0,), (0,)), ((), ())),
                        preferred_element_type=jnp.float32)
    s = jnp.where(mask, s, _NEG)
    m = jnp.max(s, axis=1, keepdims=True)
    e = jnp.exp(s - m)
    return e / jnp.sum(e, axis=1, keepdims=True)


def _final_pass(a1T_ref, xT_ref, zT_blk_ref, zT_ref, w2a_ref, w2b_ref,
                b2_ref, adj_ref, out_ref, g_s):
    i = pl.program_id(0)

    @pl.when(i == 0)
    def _():
        g_s[...] = (lax.dot_general(a1T_ref[...], w2a_ref[...],
                                    (((0,), (0,)), ((), ())),
                                    preferred_element_type=jnp.float32)
                    + lax.dot_general(xT_ref[...].astype(jnp.float32),
                                      w2b_ref[...],
                                      (((0,), (0,)), ((), ())),
                                      preferred_element_type=jnp.float32))

    a = adj_ref[...]
    p = _masked_softmax_zzT(zT_blk_ref[...], zT_ref[...], a > 0)
    out_ref[...] = (
        jnp.dot(a + p, g_s[...], preferred_element_type=jnp.float32)
        + b2_ref[...])


def _const2d(arr_shape):
    return pl.BlockSpec(arr_shape, lambda i: (0, 0))


def _rows(blk, cols):
    return pl.BlockSpec((blk, cols), lambda i: (i, 0))


def _cols(rows, blk):
    return pl.BlockSpec((rows, blk), lambda i: (0, i))


def kernel(x_org, adj, W1, b1, W_mu_adj, b_mu_adj, W_logvar_adj,
           b_logvar_adj, W_mu_node, b_mu_node, W_logvar_node, b_logvar_node,
           W_node_regen, b_node_regen, W2, b2, *, blk: int = 256):
    n, nfeat = x_org.shape
    nhid = W1.shape[1]
    nclass = W2.shape[1]
    grid = (n // blk,)
    f32 = jnp.float32
    relu = jax.nn.relu

    x = relu(adj @ (x_org @ W1) + b1)
    xb = x.astype(jnp.bfloat16)
    mu = relu(adj @ (xb @ W_mu_adj) + b_mu_adj)
    mu_n = relu(adj @ (xb @ W_mu_node) + b_mu_node)
    mu_n = lax.optimization_barrier(mu_n)

    muT = mu.T
    xT = xb.T
    adjT = adj.T

    wc = jnp.concatenate([W_logvar_adj, W_logvar_node], axis=1)
    bcT = jnp.concatenate([b_logvar_adj, b_logvar_node]).reshape(2 * nhid, 1)
    adj1T, y2T = pl.pallas_call(
        _attn_gconv_T_pass,
        grid=grid,
        in_specs=[_cols(nhid, blk), _const2d((nhid, n)), _const2d((nhid, n)),
                  _const2d((nhid, 2 * nhid)), _const2d((2 * nhid, 1)),
                  _cols(n, blk)],
        out_specs=[_cols(n, blk), _cols(2 * nhid, blk)],
        out_shape=[jax.ShapeDtypeStruct((n, n), f32),
                   jax.ShapeDtypeStruct((2 * nhid, n), f32)],
        scratch_shapes=[pltpu.VMEM((2 * nhid, n), f32)],
    )(muT, muT, xT, wc, bcT, adjT)
    adj1 = adj1T.T
    logvar = y2T[:nhid].T
    var_n = y2T[nhid:].T

    a1r = relu(adj1.T @ (mu_n @ W_node_regen) + b_node_regen)
    neg2 = _NEG * jnp.ones_like(a1r)
    masked_nodes = jnp.where(x_org > 0, a1r, neg2)
    a1 = jax.nn.softmax(masked_nodes, axis=1)

    out = pl.pallas_call(
        _final_pass,
        grid=grid,
        in_specs=[_const2d((nfeat, n)), _const2d((nhid, n)),
                  _cols(nhid, blk), _const2d((nhid, n)),
                  _const2d((nfeat, nclass)), _const2d((nhid, nclass)),
                  _const2d((1, nclass)), _rows(blk, n)],
        out_specs=_rows(blk, nclass),
        out_shape=jax.ShapeDtypeStruct((n, nclass), f32),
        scratch_shapes=[pltpu.VMEM((n, nclass), f32)],
    )(a1.T, xT, muT, muT, W2[:nfeat], W2[nfeat:], b2.reshape(1, nclass), adj)

    return (a1, adj1, mu, logvar, mu_n, var_n, out)

# --- scband reference (transcript-rebuilt; emitter-appended) ---
"""Pipeline reference for scband-gcn-66494683677234 (READ-ONLY COPY).

The authoritative reference and input builder live on the scoring server;
editing this copy changes nothing except your own understanding.
"""

import jax, jax.numpy as jnp
import numpy as np

N = 4096
NFEAT = 128
NHID = 64
NCLASS = 32


def _w(key, i, o):
    return jax.random.normal(key, (i, o), dtype=jnp.float32) * (1.0 / np.sqrt(i))


def setup_inputs(seed: int = 0) -> dict:
    key = jax.random.key(seed)
    ks = jax.random.split(key, 12)
    inp = {}
    inp["x_org"] = jax.random.normal(ks[0], (N, NFEAT), dtype=jnp.float32)
    inp["adj"] = jax.random.normal(ks[1], (N, N), dtype=jnp.float32)
    # GraphConv parameters: out = adj @ (x @ W) + b
    inp["W1"] = _w(ks[2], NFEAT, NHID)
    inp["b1"] = jnp.zeros((NHID,), jnp.float32)
    inp["W_mu_adj"] = _w(ks[3], NHID, NHID)
    inp["b_mu_adj"] = jnp.zeros((NHID,), jnp.float32)
    inp["W_logvar_adj"] = _w(ks[4], NHID, NHID)
    inp["b_logvar_adj"] = jnp.zeros((NHID,), jnp.float32)
    inp["W_mu_node"] = _w(ks[5], NHID, NHID)
    inp["b_mu_node"] = jnp.zeros((NHID,), jnp.float32)
    inp["W_logvar_node"] = _w(ks[6], NHID, NHID)
    inp["b_logvar_node"] = jnp.zeros((NHID,), jnp.float32)
    # node_regen output sized NFEAT so the x_org>0 mask broadcasts (shape fix, see notes)
    inp["W_node_regen"] = _w(ks[7], NHID, NFEAT)
    inp["b_node_regen"] = jnp.zeros((NFEAT,), jnp.float32)
    # gc2 consumes concat([a1, x], -1) -> NFEAT + NHID columns (shape fix, see notes)
    inp["W2"] = _w(ks[8], NFEAT + NHID, NCLASS)
    inp["b2"] = jnp.zeros((NCLASS,), jnp.float32)
    return inp


def _gconv(x, adj, W, b):
    return adj @ (x @ W) + b


def reference(x_org, adj, W1, b1, W_mu_adj, b_mu_adj, W_logvar_adj, b_logvar_adj,
              W_mu_node, b_mu_node, W_logvar_node, b_logvar_node,
              W_node_regen, b_node_regen, W2, b2):
    relu = jax.nn.relu
    # eval mode: dropout is identity, reparameterize returns mu
    x = x_org
    x = relu(_gconv(x, adj, W1, b1))
    mu = relu(_gconv(x, adj, W_mu_adj, b_mu_adj))
    logvar = relu(_gconv(x, adj, W_logvar_adj, b_logvar_adj))
    mu_n = relu(_gconv(x, adj, W_mu_node, b_mu_node))
    var_n = relu(_gconv(x, adj, W_logvar_node, b_logvar_node))
    z = mu
    z_n = mu_n
    # InnerProductDecoder with act = identity (dropout off in eval)
    adj1 = z @ z.T
    neg = -9000000000000000.0 * jnp.ones_like(adj1)
    masked_adj = jnp.where(adj > 0, adj1, neg)
    adj1 = jax.nn.softmax(masked_adj, axis=1)
    a1 = relu(_gconv(z_n, adj1.T, W_node_regen, b_node_regen))
    neg2 = -9000000000000000.0 * jnp.ones_like(a1)
    masked_nodes = jnp.where(x_org > 0, a1, neg2)
    a1 = jax.nn.softmax(masked_nodes, axis=1)
    xc = jnp.concatenate([a1, x], -1)
    out = _gconv(xc, adj + adj1, W2, b2)
    return (a1, adj1, mu, logvar, mu_n, var_n, out)

if __name__ == "__main__":
    import jax
    _d = setup_inputs()
    print(jax.jit(kernel)(*tuple(_d.values())))

</pallas_src>

<mosaic_0001>
module attributes {stable_mosaic.version = 14 : i64} {
  func.func @_attn_gconv_T_pass(%arg0: i32, %arg1: memref<64x256xf32, #tpu.memory_space<vmem>>, %arg2: memref<64x4096xf32, #tpu.memory_space<vmem>>, %arg3: memref<64x4096xbf16, #tpu.memory_space<vmem>>, %arg4: memref<64x128xf32, #tpu.memory_space<vmem>>, %arg5: memref<128x1xf32, #tpu.memory_space<vmem>>, %arg6: memref<4096x256xf32, #tpu.memory_space<vmem>>, %arg7: memref<4096x256xf32, #tpu.memory_space<vmem>>, %arg8: memref<128x256xf32, #tpu.memory_space<vmem>>, %arg9: memref<128x4096xf32, #tpu.memory_space<vmem>>) attributes {dimension_semantics = [#tpu.dimension_semantics<arbitrary>], iteration_bounds = array<i64: 16>, scalar_prefetch = 0 : i64, scratch_operands = 1 : i64, tpu.core_type = #tpu.core_type<tc>, window_params = [{transform_indices = @transform_0, window_bounds = array<i64: 64, 256>}, {pipeline_mode = #tpu.pipeline_mode<synchronous>, transform_indices = @transform_1, window_bounds = array<i64: 64, 4096>}, {pipeline_mode = #tpu.pipeline_mode<synchronous>, transform_indices = @transform_2, window_bounds = array<i64: 64, 4096>}, {pipeline_mode = #tpu.pipeline_mode<synchronous>, transform_indices = @transform_3, window_bounds = array<i64: 64, 128>}, {pipeline_mode = #tpu.pipeline_mode<synchronous>, transform_indices = @transform_4, window_bounds = array<i64: 128, 1>}, {transform_indices = @transform_5, window_bounds = array<i64: 4096, 256>}, {transform_indices = @transform_6, window_bounds = array<i64: 4096, 256>}, {transform_indices = @transform_7, window_bounds = array<i64: 128, 256>}]} {
    %eq3A = arith.constant 0 : i32
    %eq3A_0 = arith.cmpi eq, %arg0, %eq3A : i32
    %convert_element_type3A = arith.extui %eq3A_0 : i1 to i32
    %cond3A = arith.constant 0 : i32
    %cond3A_1 = arith.cmpi ne, %convert_element_type3A, %cond3A : i32
    scf.if %cond3A_1 {
      %get3A_35 = arith.constant 0 : index
      %get3A_36 = arith.constant 0 : index
      %get3A_37 = vector.load %arg4[%get3A_35, %get3A_36] : memref<64x128xf32, #tpu.memory_space<vmem>>, vector<64x128xf32>
      %get3A_38 = arith.constant 0 : index
      %get3A_39 = arith.constant 0 : index
      %get3A_40 = vector.load %arg3[%get3A_38, %get3A_39] : memref<64x4096xbf16, #tpu.memory_space<vmem>>, vector<64x4096xbf16>
      %convert_element_type3A_41 = arith.extf %get3A_40 : vector<64x4096xbf16> to vector<64x4096xf32>
      %dot_general3A_42 = arith.constant dense<0.000000e+00> : vector<128x4096xf32>
      %dot_general3A_43 = tpu.matmul %get3A_37, %convert_element_type3A_41, %dot_general3A_42 {dimension_numbers = #tpu.dot_dimension_numbers<[0], [0], [1], [1], [0, 1, 1, 1], [], []>, transpose_lhs_hint = false} : vector<64x128xf32>, vector<64x4096xf32>, vector<128x4096xf32> -> vector<128x4096xf32>
      %swap3A_44 = arith.constant 0 : index
      %swap3A_45 = arith.constant 0 : index
      %swap3A_46 = vector.load %arg9[%swap3A_44, %swap3A_45] : memref<128x4096xf32, #tpu.memory_space<vmem>>, vector<128x4096xf32>
      tpu.vector_store %arg9[%swap3A_44, %swap3A_45], %dot_general3A_43 {strides = array<i32>} : memref<128x4096xf32, #tpu.memory_space<vmem>>, vector<128x4096xf32>,
    } else {
    }
    %get3A = arith.constant 0 : index
    %get3A_2 = arith.constant 0 : index
    %get3A_3 = vector.load %arg6[%get3A, %get3A_2] : memref<4096x256xf32, #tpu.memory_space<vmem>>, vector<4096x256xf32>
    %get3A_4 = arith.constant 0 : index
    %get3A_5 = arith.constant 0 : index
    %get3A_6 = vector.load %arg2[%get3A_4, %get3A_5] : memref<64x4096xf32, #tpu.memory_space<vmem>>, vector<64x4096xf32>
    %get3A_7 = arith.constant 0 : index
    %get3A_8 = arith.constant 0 : index
    %get3A_9 = vector.load %arg1[%get3A_7, %get3A_8] : memref<64x256xf32, #tpu.memory_space<vmem>>, vector<64x256xf32>
    %dot_general3A = arith.constant dense<0.000000e+00> : vector<4096x256xf32>
    %dot_general3A_10 = tpu.matmul %get3A_6, %get3A_9, %dot_general3A {dimension_numbers = #tpu.dot_dimension_numbers<[0], [0], [1], [1], [0, 1, 1, 1], [], []>, transpose_lhs_hint = false} : vector<64x4096xf32>, vector<64x256xf32>, vector<4096x256xf32> -> vector<4096x256xf32>
    %gt3A = arith.constant 0.000000e+00 : f32
    %gt3A_11 = vector.broadcast %gt3A : f32 to vector<4096x256xf32>
    %gt3A_12 = arith.cmpf ogt, %get3A_3, %gt3A_11 : vector<4096x256xf32>
    %jit3A = arith.constant -9.000000e+15 : f32
    %broadcast_in_dim3A = vector.broadcast %jit3A : f32 to vector<4096x256xf32>
    %select_n3A = arith.select %gt3A_12, %dot_general3A_10, %broadcast_in_dim3A : vector<4096x256xi1>, vector<4096x256xf32>
    %reduce_max3A = arith.constant dense<0xFF800000> : vector<256xf32>
    %reduce_max3A_13 = vector.multi_reduction <maximumf>, %select_n3A, %reduce_max3A [0] : vector<4096x256xf32> to vector<256xf32>
    %broadcast_in_dim3A_14 = vector.shape_cast %reduce_max3A_13 : vector<256xf32> to vector<1x256xf32>
    %sub3A = vector.broadcast %broadcast_in_dim3A_14 : vector<1x256xf32> to vector<4096x256xf32>
    %sub3A_15 = arith.subf %select_n3A, %sub3A : vector<4096x256xf32>
    %exp3A = math.exp %sub3A_15 : vector<4096x256xf32>
    %reduce_sum3A = arith.constant dense<0.000000e+00> : vector<256xf32>
    %reduce_sum3A_16 = vector.multi_reduction <add>, %exp3A, %reduce_sum3A [0] : vector<4096x256xf32> to vector<256xf32>
    %broadcast_in_dim3A_17 = vector.shape_cast %reduce_sum3A_16 : vector<256xf32> to vector<1x256xf32>
    %div3A = vector.broadcast %broadcast_in_dim3A_17 : vector<1x256xf32> to vector<4096x256xf32>
    %div3A_18 = arith.divf %exp3A, %div3A : vector<4096x256xf32>
    %swap3A = arith.constant 0 : index
    %swap3A_19 = arith.constant 0 : index
    %swap3A_20 = vector.load %arg7[%swap3A, %swap3A_19] : memref<4096x256xf32, #tpu.memory_space<vmem>>, vector<4096x256xf32>
    tpu.vector_store %arg7[%swap3A, %swap3A_19], %div3A_18 {strides = array<i32>} : memref<4096x256xf32, #tpu.memory_space<vmem>>, vector<4096x256xf32>,
    %get3A_21 = arith.constant 0 : index
    %get3A_22 = arith.constant 0 : index
    %get3A_23 = vector.load %arg9[%get3A_21, %get3A_22] : memref<128x4096xf32, #tpu.memory_space<vmem>>, vector<128x4096xf32>
    %dot_general3A_24 = arith.constant dense<0.000000e+00> : vector<128x256xf32>
    %dot_general3A_25 = tpu.matmul %get3A_23, %get3A_3, %dot_general3A_24 {dimension_numbers = #tpu.dot_dimension_numbers<[1], [0], [0], [1], [0, 0, 1, 1], [], []>, transpose_lhs_hint = false} : vector<128x4096xf32>, vector<4096x256xf32>, vector<128x256xf32> -> vector<128x256xf32>
    %get3A_26 = arith.constant 0 : index
    %get3A_27 = arith.constant 0 : index
    %get3A_28 = vector.load %arg5[%get3A_26, %get3A_27] : memref<128x1xf32, #tpu.memory_space<vmem>>, vector<128x1xf32>
    %add3A = vector.broadcast %get3A_28 : vector<128x1xf32> to vector<128x256xf32>
    %add3A_29 = arith.addf %dot_general3A_25, %add3A : vector<128x256xf32>
    %max3A = arith.constant 0.000000e+00 : f32
    %max3A_30 = vector.broadcast %max3A : f32 to vector<128x256xf32>
    %max3A_31 = arith.maximumf %add3A_29, %max3A_30 : vector<128x256xf32>
    %swap3A_32 = arith.constant 0 : index
    %swap3A_33 = arith.constant 0 : index
    %swap3A_34 = vector.load %arg8[%swap3A_32, %swap3A_33] : memref<128x256xf32, #tpu.memory_space<vmem>>, vector<128x256xf32>
    tpu.vector_store %arg8[%swap3A_32, %swap3A_33], %max3A_31 {strides = array<i32>} : memref<128x256xf32, #tpu.memory_space<vmem>>, vector<128x256xf32>,
    return
  }
  func.func @transform_0(%arg0: i32) -> (i32, i32) {
    %c0_i32 = arith.constant 0 : i32
    %c0_i32_0 = arith.constant 0 : i32
    return %c0_i32, %arg0 : i32, i32
  }
  func.func @transform_1(%arg0: i32) -> (i32, i32) {
    %c0_i32 = arith.constant 0 : i32
    %c0_i32_0 = arith.constant 0 : i32
    %c0_i32_1 = arith.constant 0 : i32
    return %c0_i32, %c0_i32_0 : i32, i32
  }
  func.func @transform_2(%arg0: i32) -> (i32, i32) {
    %c0_i32 = arith.constant 0 : i32
    %c0_i32_0 = arith.constant 0 : i32
    %c0_i32_1 = arith.constant 0 : i32
    return %c0_i32, %c0_i32_0 : i32, i32
  }
  func.func @transform_3(%arg0: i32) -> (i32, i32) {
    %c0_i32 = arith.constant 0 : i32
    %c0_i32_0 = arith.constant 0 : i32
    %c0_i32_1 = arith.constant 0 : i32
    return %c0_i32, %c0_i32_0 : i32, i32
  }
  func.func @transform_4(%arg0: i32) -> (i32, i32) {
    %c0_i32 = arith.constant 0 : i32
    %c0_i32_0 = arith.constant 0 : i32
    %c0_i32_1 = arith.constant 0 : i32
    return %c0_i32, %c0_i32_0 : i32, i32
  }
  func.func @transform_5(%arg0: i32) -> (i32, i32) {
    %c0_i32 = arith.constant 0 : i32
    %c0_i32_0 = arith.constant 0 : i32
    return %c0_i32, %arg0 : i32, i32
  }
  func.func @transform_6(%arg0: i32) -> (i32, i32) {
    %c0_i32 = arith.constant 0 : i32
    %c0_i32_0 = arith.constant 0 : i32
    return %c0_i32, %arg0 : i32, i32
  }
  func.func @transform_7(%arg0: i32) -> (i32, i32) {
    %c0_i32 = arith.constant 0 : i32
    %c0_i32_0 = arith.constant 0 : i32
    return %c0_i32, %arg0 : i32, i32
  }
}

module attributes {stable_mosaic.version = 14 : i64} {
  func.func @_final_pass(%arg0: i32, %arg1: memref<128x4096xf32, #tpu.memory_space<vmem>>, %arg2: memref<64x4096xbf16, #tpu.memory_space<vmem>>, %arg3: memref<64x256xf32, #tpu.memory_space<vmem>>, %arg4: memref<64x4096xf32, #tpu.memory_space<vmem>>, %arg5: memref<128x32xf32, #tpu.memory_space<vmem>>, %arg6: memref<64x32xf32, #tpu.memory_space<vmem>>, %arg7: memref<1x32xf32, #tpu.memory_space<vmem>>, %arg8: memref<256x4096xf32, #tpu.memory_space<vmem>>, %arg9: memref<256x32xf32, #tpu.memory_space<vmem>>, %arg10: memref<4096x32xf32, #tpu.memory_space<vmem>>) attributes {dimension_semantics = [#tpu.dimension_semantics<arbitrary>], iteration_bounds = array<i64: 16>, scalar_prefetch = 0 : i64, scratch_operands = 1 : i64, tpu.core_type = #tpu.core_type<tc>, window_params = [{pipeline_mode = #tpu.pipeline_mode<synchronous>, transform_indices = @transform_0, window_bounds = array<i64: 128, 4096>}, {pipeline_mode = #tpu.pipeline_mode<synchronous>, transform_indices = @transform_1, window_bounds = array<i64: 64, 4096>}, {transform_indices = @transform_2, window_bounds = array<i64: 64, 256>}, {pipeline_mode = #tpu.pipeline_mode<synchronous>, transform_indices = @transform_3, window_bounds = array<i64: 64, 4096>}, {pipeline_mode = #tpu.pipeline_mode<synchronous>, transform_indices = @transform_4, window_bounds = array<i64: 128, 32>}, {pipeline_mode = #tpu.pipeline_mode<synchronous>, transform_indices = @transform_5, window_bounds = array<i64: 64, 32>}, {pipeline_mode = #tpu.pipeline_mode<synchronous>, transform_indices = @transform_6, window_bounds = array<i64: 1, 32>}, {transform_indices = @transform_7, window_bounds = array<i64: 256, 4096>}, {transform_indices = @transform_8, window_bounds = array<i64: 256, 32>}]} {
    %eq3A = arith.constant 0 : i32
    %eq3A_0 = arith.cmpi eq, %arg0, %eq3A : i32
    %convert_element_type3A = arith.extui %eq3A_0 : i1 to i32
    %cond3A = arith.constant 0 : i32
    %cond3A_1 = arith.cmpi ne, %convert_element_type3A, %cond3A : i32
    scf.if %cond3A_1 {
      %get3A_31 = arith.constant 0 : index
      %get3A_32 = arith.constant 0 : index
      %get3A_33 = vector.load %arg1[%get3A_31, %get3A_32] : memref<128x4096xf32, #tpu.memory_space<vmem>>, vector<128x4096xf32>
      %get3A_34 = arith.constant 0 : index
      %get3A_35 = arith.constant 0 : index
      %get3A_36 = vector.load %arg5[%get3A_34, %get3A_35] : memref<128x32xf32, #tpu.memory_space<vmem>>, vector<128x32xf32>
      %dot_general3A_37 = arith.constant dense<0.000000e+00> : vector<4096x32xf32>
      %dot_general3A_38 = tpu.matmul %get3A_33, %get3A_36, %dot_general3A_37 {dimension_numbers = #tpu.dot_dimension_numbers<[0], [0], [1], [1], [0, 1, 1, 1], [], []>, transpose_lhs_hint = false} : vector<128x4096xf32>, vector<128x32xf32>, vector<4096x32xf32> -> vector<4096x32xf32>
      %get3A_39 = arith.constant 0 : index
      %get3A_40 = arith.constant 0 : index
      %get3A_41 = vector.load %arg2[%get3A_39, %get3A_40] : memref<64x4096xbf16, #tpu.memory_space<vmem>>, vector<64x4096xbf16>
      %convert_element_type3A_42 = arith.extf %get3A_41 : vector<64x4096xbf16> to vector<64x4096xf32>
      %get3A_43 = arith.constant 0 : index
      %get3A_44 = arith.constant 0 : index
      %get3A_45 = vector.load %arg6[%get3A_43, %get3A_44] : memref<64x32xf32, #tpu.memory_space<vmem>>, vector<64x32xf32>
      %dot_general3A_46 = arith.constant dense<0.000000e+00> : vector<4096x32xf32>
      %dot_general3A_47 = tpu.matmul %convert_element_type3A_42, %get3A_45, %dot_general3A_46 {dimension_numbers = #tpu.dot_dimension_numbers<[0], [0], [1], [1], [0, 1, 1, 1], [], []>, transpose_lhs_hint = false} : vector<64x4096xf32>, vector<64x32xf32>, vector<4096x32xf32> -> vector<4096x32xf32>
      %add3A_48 = arith.addf %dot_general3A_38, %dot_general3A_47 : vector<4096x32xf32>
      %swap3A_49 = arith.constant 0 : index
      %swap3A_50 = arith.constant 0 : index
      %swap3A_51 = vector.load %arg10[%swap3A_49, %swap3A_50] : memref<4096x32xf32, #tpu.memory_space<vmem>>, vector<4096x32xf32>
      tpu.vector_store %arg10[%swap3A_49, %swap3A_50], %add3A_48 {strides = array<i32>} : memref<4096x32xf32, #tpu.memory_space<vmem>>, vector<4096x32xf32>,
    } else {
    }
    %get3A = arith.constant 0 : index
    %get3A_2 = arith.constant 0 : index
    %get3A_3 = vector.load %arg8[%get3A, %get3A_2] : memref<256x4096xf32, #tpu.memory_space<vmem>>, vector<256x4096xf32>
    %get3A_4 = arith.constant 0 : index
    %get3A_5 = arith.constant 0 : index
    %get3A_6 = vector.load %arg3[%get3A_4, %get3A_5] : memref<64x256xf32, #tpu.memory_space<vmem>>, vector<64x256xf32>
    %get3A_7 = arith.constant 0 : index
    %get3A_8 = arith.constant 0 : index
    %get3A_9 = vector.load %arg4[%get3A_7, %get3A_8] : memref<64x4096xf32, #tpu.memory_space<vmem>>, vector<64x4096xf32>
    %gt3A = arith.constant 0.000000e+00 : f32
    %gt3A_10 = vector.broadcast %gt3A : f32 to vector<256x4096xf32>
    %gt3A_11 = arith.cmpf ogt, %get3A_3, %gt3A_10 : vector<256x4096xf32>
    %dot_general3A = arith.constant dense<0.000000e+00> : vector<256x4096xf32>
    %dot_general3A_12 = tpu.matmul %get3A_6, %get3A_9, %dot_general3A {dimension_numbers = #tpu.dot_dimension_numbers<[0], [0], [1], [1], [0, 1, 1, 1], [], []>, transpose_lhs_hint = false} : vector<64x256xf32>, vector<64x4096xf32>, vector<256x4096xf32> -> vector<256x4096xf32>
    %jit3A = arith.constant -9.000000e+15 : f32
    %broadcast_in_dim3A = vector.broadcast %jit3A : f32 to vector<256x4096xf32>
    %select_n3A = arith.select %gt3A_11, %dot_general3A_12, %broadcast_in_dim3A : vector<256x4096xi1>, vector<256x4096xf32>
    %reduce_max3A = arith.constant dense<0xFF800000> : vector<256xf32>
    %reduce_max3A_13 = vector.multi_reduction <maximumf>, %select_n3A, %reduce_max3A [1] : vector<256x4096xf32> to vector<256xf32>
    %broadcast_in_dim3A_14 = vector.shape_cast %reduce_max3A_13 : vector<256xf32> to vector<256x1xf32>
    %sub3A = vector.broadcast %broadcast_in_dim3A_14 : vector<256x1xf32> to vector<256x4096xf32>
    %sub3A_15 = arith.subf %select_n3A, %sub3A : vector<256x4096xf32>
    %exp3A = math.exp %sub3A_15 : vector<256x4096xf32>
    %reduce_sum3A = arith.constant dense<0.000000e+00> : vector<256xf32>
    %reduce_sum3A_16 = vector.multi_reduction <add>, %exp3A, %reduce_sum3A [1] : vector<256x4096xf32> to vector<256xf32>
    %broadcast_in_dim3A_17 = vector.shape_cast %reduce_sum3A_16 : vector<256xf32> to vector<256x1xf32>
    %div3A = vector.broadcast %broadcast_in_dim3A_17 : vector<256x1xf32> to vector<256x4096xf32>
    %div3A_18 = arith.divf %exp3A, %div3A : vector<256x4096xf32>
    %add3A = arith.addf %get3A_3, %div3A_18 : vector<256x4096xf32>
    %get3A_19 = arith.constant 0 : index
    %get3A_20 = arith.constant 0 : index
    %get3A_21 = vector.load %arg10[%get3A_19, %get3A_20] : memref<4096x32xf32, #tpu.memory_space<vmem>>, vector<4096x32xf32>
    %dot_general3A_22 = arith.constant dense<0.000000e+00> : vector<256x32xf32>
    %dot_general3A_23 = tpu.matmul %add3A, %get3A_21, %dot_general3A_22 {dimension_numbers = #tpu.dot_dimension_numbers<[1], [0], [0], [1], [0, 0, 1, 1], [], []>, transpose_lhs_hint = false} : vector<256x4096xf32>, vector<4096x32xf32>, vector<256x32xf32> -> vector<256x32xf32>
    %get3A_24 = arith.constant 0 : index
    %get3A_25 = arith.constant 0 : index
    %get3A_26 = vector.load %arg7[%get3A_24, %get3A_25] : memref<1x32xf32, #tpu.memory_space<vmem>>, vector<1x32xf32>
    %add3A_27 = vector.broadcast %get3A_26 : vector<1x32xf32> to vector<256x32xf32>
    %add3A_28 = arith.addf %dot_general3A_23, %add3A_27 : vector<256x32xf32>
    %swap3A = arith.constant 0 : index
    %swap3A_29 = arith.constant 0 : index
    %swap3A_30 = vector.load %arg9[%swap3A, %swap3A_29] : memref<256x32xf32, #tpu.memory_space<vmem>>, vector<256x32xf32>
    tpu.vector_store %arg9[%swap3A, %swap3A_29], %add3A_28 {strides = array<i32>} : memref<256x32xf32, #tpu.memory_space<vmem>>, vector<256x32xf32>,
    return
  }
  func.func @transform_0(%arg0: i32) -> (i32, i32) {
    %c0_i32 = arith.constant 0 : i32
    %c0_i32_0 = arith.constant 0 : i32
    %c0_i32_1 = arith.constant 0 : i32
    return %c0_i32, %c0_i32_0 : i32, i32
  }
  func.func @transform_1(%arg0: i32) -> (i32, i32) {
    %c0_i32 = arith.constant 0 : i32
    %c0_i32_0 = arith.constant 0 : i32
    %c0_i32_1 = arith.constant 0 : i32
    return %c0_i32, %c0_i32_0 : i32, i32
  }
  func.func @transform_2(%arg0: i32) -> (i32, i32) {
    %c0_i32 = arith.constant 0 : i32
    %c0_i32_0 = arith.constant 0 : i32
    return %c0_i32, %arg0 : i32, i32
  }
  func.func @transform_3(%arg0: i32) -> (i32, i32) {
    %c0_i32 = arith.constant 0 : i32
    %c0_i32_0 = arith.constant 0 : i32
    %c0_i32_1 = arith.constant 0 : i32
    return %c0_i32, %c0_i32_0 : i32, i32
  }
  func.func @transform_4(%arg0: i32) -> (i32, i32) {
    %c0_i32 = arith.constant 0 : i32
    %c0_i32_0 = arith.constant 0 : i32
    %c0_i32_1 = arith.constant 0 : i32
    return %c0_i32, %c0_i32_0 : i32, i32
  }
  func.func @transform_5(%arg0: i32) -> (i32, i32) {
    %c0_i32 = arith.constant 0 : i32
    %c0_i32_0 = arith.constant 0 : i32
    %c0_i32_1 = arith.constant 0 : i32
    return %c0_i32, %c0_i32_0 : i32, i32
  }
  func.func @transform_6(%arg0: i32) -> (i32, i32) {
    %c0_i32 = arith.constant 0 : i32
    %c0_i32_0 = arith.constant 0 : i32
    %c0_i32_1 = arith.constant 0 : i32
    return %c0_i32, %c0_i32_0 : i32, i32
  }
  func.func @transform_7(%arg0: i32) -> (i32, i32) {
    %c0_i32 = arith.constant 0 : i32
    %c0_i32_0 = arith.constant 0 : i32
    return %arg0, %c0_i32 : i32, i32
  }
  func.func @transform_8(%arg0: i32) -> (i32, i32) {
    %c0_i32 = arith.constant 0 : i32
    %c0_i32_0 = arith.constant 0 : i32
    return %arg0, %c0_i32 : i32, i32
  }
}

</mosaic_0001>

<sc_bundles>
// kernel: sparse-core-data-format-call.cloned.1.call-start
scs
called_computation_lowered:
.L_overlay_start_0:
0x0: {  	s2 =	sld [smem:$0x3FD9]  }
0x1: {  	s3 =	sld [smem:$0x3FFE];
	_ =	sdelay $0x1  }
0x2: {  	s1 =	srdreg.scid  }
0x3: {  	s0 =	sand.u32 $0x1, s1  }
0x4: {  	s15 =	sshll.u32 s0, $0xA;
	s2 =	sadd.s32 s3, s2  }
0x5: {  	s2 =	sadd.s32 s2, s15  }
0x6: {  	[smem:$0x3FB8] =	sst s2  }
0x7: {  	_ = 	snop  }
0x8: {  	s2 =	sld [smem:$0x3FD0];
	_ =	sdelay $0x2  }
0x9: {  	s16 =	simm.s32 $0xA;
	s4 =	simm.s32 $0x10  }
0xa: {  	[smem:s4], [sflag:s16] =	dma.local [hbm:s2], $0x1  }
0xb: {  	_ =	swait.eq [sflag:s16], $0x1  }
0xc: {  	[sflag:s16] =	ssyncset.done $0x0  }
0xd: {  	[sflag:s16] =	ssyncadd.s32 $0xFFFFFFFF  }
0xe: {  	s17 =	sld [smem:$0x11];
	(tm) =	ssettm $0x1  }
0xf: {  	s18 =	sld [smem:$0x3FFB];
	_ =	sdelay $0x3  }
0x10: {  	_ =	strace s18  }
0x11: {  	s3 =	sld [smem:$0x3FFC];
	_ =	sdelay $0x3  }
0x12: {  	_ =	strace s3  }
0x13: {  	s3 =	sld [smem:$0x3FFD];
	_ =	sdelay $0x3  }
0x14: {  	_ =	strace s3  }
0x15: {  	_ =	strace $0x8FFFFFFF  }
0x16: {  	s19 =	sld [smem:$0x3FDB];
	_ =	sdelay $0x1  }
0x17: {  	s20 =	simm.s32 $_scs_section_size  }
0x18: {  	s5 =	simm.s32 $_size__tile_overlayer_lowered;
	s6 =	simm.s32 $_tile_overlayer_lowered  }
0x19: {  	s23 =	simm.s32 $0x1BFF;
	s22 =	sshll.u32 s6, $0x1;
	s3 =	sadd.s32 s20, s19  }
0x1a: {  	s7 =	simm.s32 $0x0;
	s21 =	sshll.u32 s5, $0x1;
	s5 =	sadd.s32 s22, s3  }
0x1b: {  	[timem:s7], [sflag:s23] =	dma.local [hbm:s5], s21  }
0x1c: {  	_ =	swait.ge [sflag:s23], s21  }
0x1d: {  	s4 =	ssub.s32 $0x0, s21;
	[sflag:s23] =	ssyncset.done $0x0  }
0x1e: {  	[sflag:s23] =	ssyncadd.s32 s4;
	_ =	sdelay $0x1  }
0x1f: {  	s24 =	simm.s32 $0x1B8B  }
0x20: {  	_ =	swait.ge [sflag:s24], $0x1  }
0x21: {  	[sflag:s24] =	ssyncset.done $0x0  }
0x22: {  	s26 =	simm.s32 $0x1B8E;
	s25 =	sld [smem:$0x3FFE];
	[sflag:s24] =	ssyncadd.s32 $0xFFFFFFFF  }
0x23: {  	s27 =	simm.s32 $execute0_lowered;
	[smem:$0x3FD2] =	sst s26  }
0x24: {  	s5 =	sshll.u32 s27, $0x1;
	_ =	strace $0x80000046;
	[dreg:$0x1] =	wrdreg $0xFFFFFFFF  }
0x25: {  	s28 =	simm.s32 $_size_execute0_lowered;
	s3 =	sadd.s32 s3, s5;
	[dreg:$0x0] =	wrdreg $0x0  }
0x26: {  	s5 =	sshll.u32 s28, $0x1;
	[dreg:$0x2] =	wrdreg s3  }
0x27: {  	[dreg:$0x3] =	wrdreg s5  }
0x28: {  	[dreg:$0x4] =	wrdreg $0xC0  }
0x29: {  	_ =	task [dreg:s7], $0x5FFFF  }
0x2a: {  	[dreg:$0x1] =	wrdreg $0xFFFFFFFF  }
0x2b: {  	[dreg:$0x0] =	wrdreg $0x60  }
0x2c: {  	[dreg:$0x2] =	wrdreg s25  }
0x2d: {  	[dreg:$0x3] =	wrdreg s17  }
0x2e: {  	[dreg:$0x4] =	wrdreg $0x9  }
0x2f: {  	_ =	task.clear_ibuf [dreg:s7], $0x5FFFF;
	_ =	strace $0x90000046  }
0x30: {  	s29 =	simm.s32 $0x9;
	_ =	strace $0x80000048  }
0x31: {  	_ =	swait.ge [sflag:s29], $0x1  }
0x32: {  	[sflag:s29] =	ssyncadd.s32 $0xFFFFFFFF  }
0x33: {  	_ =	strace $0x90000048  }
0x34: {  	_ =	sfence  }
0x35: {  	s30 =	sld [smem:$0x0];
	_ =	sdelay $0x2  }
0x36: {  	s31 =	sshll.u32 s1, $0xD;
	s1 =	sshrl.u32 s1, $0x2  }
0x37: {  	s3 =	sand.u32 $0x4000, s31;
	s1 =	sadd.s32 s1, s30  }
0x38: {  	s0 =	sor.u32 s3, s0;
	s1 =	sshll.u32 s1, $0x11  }
0x39: {  	s0 =	sor.u32 s1, s0  }
0x3a: {  	s0 =	sadd.s32 $0x8F2B, s0  }
0x3b: {  	[sflag:s0] =	ssyncadd.remote.s32 $0x1  }
0x3c: {  	_ =	sfence.sel $0xFFFF  }
0x3d: {  	[dreg:$0x0] =	wrdreg $0xFFFFFFFF;
	(pc) =	sbr.abs _section_cstart, $3  }
0x3e: {  	[dreg:$0x1] =	wrdreg $0xFFFFFFFF  }
0x3f: {  	_ =	task.clear_ibuf [dreg:s7], $0x2FFFF;
	_ =	strace $0x9FFFFFFF  }
0x40: {  	(tm) =	ssettm $0x7FFFFFFF  }
0x41: {  	_ =	shalt  }
tec
execute0_lowered:
.L_overlay_start_1:
0x0: {  	(tag) =	ssettag $0x1  }
0x1: {  	s0 =	srdreg.scid  }
0x2: {  	s1 =	sshll.u32 s0, $0x4  }
0x3: {  	s6 =	rddreg [dreg:$0x0];
	s0 =	stileid.u32;
	s1 =	sand.u32 $0x10, s1  }
0x4: {  	s3 =	rddreg [dreg:$0x1];
	s5 =	simm.s32 $0x1;
	s1 =	sor.u32 s0, s1  }
0x5: {  	s31 =	simm.s32 $0x2;
	s13 =	simm.s32 $0x0;
	s2 =	sshll.u32 s1, $0x7  }
0x6: {  	s8 =	simm.s32 $0x8000;
	s12 =	simm.s32 $0x0;
	s4 =	ssub.s32 $0x1000, s2  }
0x7: {  	s9 =	simm.s32 $0x0;
	s11 =	simm.s32 $0x0;
	s30 =	sand.u32 $0xF80, s4  }
.Ltmp0:
0x8: {  	s6 =	sadd.s32 $0x3000, s6;
	p0 =	sne.s32 s30, $0x0;
	(pc) =	sbr.rel .LBB1_1-.Ltmp0, $4  }
0x9: {  	s1 =	rddreg [dreg:$0x2];
	s7 =	sshrl.u32 s4, $0xC;
	s5 =	simm.s32 @!p0 $0x0  }
0xa: {  	_ =	strace $0x80000047;
	s4 =	simm.s32 $0x1;
	s5 =	sadd.s32 s5, s7  }
0xb: {  	s10 =	smov.u32 s2;
	[sflag:s4] =	ssyncpa.u1 $0x0;
	s5 =	sshll.u32 s5, $0x5  }
0xc: {  	[sflag:s31] =	ssyncpa.u1 $0x0;
	p0 =	por $0x0, $0x0;
	s7 =	sor.u32 $0x1, s5  }
.LBB1_4:
0xd: {  	v5 =	vld [tilespmem:s16+$0xFFFFFFD0]  }
0xe: {  	[tilespmem:s17+$0x2040 ss:$0x81] =	vst.msk $0xffff, v1;
	v58 =	vld [tilespmem:s16+$0xFFFFFFE0]  }
0xf: {  	[tilespmem:s17+$0x2850 ss:$0x81] =	vst.msk $0xffff, v2;
	v59 =	vld [tilespmem:s16+$0xFFFFFFF0]  }
0x10: {  	s18 =	sshra.s32 s18, $0x2;
	[tilespmem:s17+$0x3060 ss:$0x81] =	vst.msk $0xffff, v3;
	v60 =	vld [tilespmem:s16+$0x0]  }
0x11: {  	[tilespmem:s17+$0x0 ss:$0x81] =	vst.msk $0xffff, v0;
	v61 =	vld [tilespmem:s16+$0x10];
	s15 =	sadd.s32 s18, s15  }
0x12: {  	s26 =	sshll.u32 s13, $0xC;
	v62 =	vld [tilespmem:s16+$0x20];
	[tilespmem:s15+$0x3870 ss:$0x81] =	vst.msk $0xffff, v4  }
0x13: {  	s27 =	sand.u32 $0x78, s12;
	s19 =	sshll.u32 s12, $0x3;
	v63 =	vld [tilespmem:s16+$0xFFFFFFC0];
	s29 =	sshll.u32 s13, $0x7;
	[tilespmem:s15+$0x810 ss:$0x81] =	vst.msk $0xffff, v5  }
0x14: {  	s17 =	sand.u32 $0xFF8000, s26;
	s28 =	sand.u32 $0xFFFC00, s19;
	s19 =	sand.u32 $0xC00, s19;
	[tilespmem:s15+$0x1020 ss:$0x81] =	vst.msk $0xffff, v58  }
0x15: {  	s13 =	sand.u32 $0x380, s29;
	s16 =	sadd.s32 s28, s17;
	s30 =	sor.u32 s27, s19;
	[tilespmem:s15+$0x1830 ss:$0x81] =	vst.msk $0xffff, v59  }
0x16: {  	s16 =	sand.u32 $0xFFF000, s16;
	s13 =	sor.u32 s13, s30;
	[tilespmem:s15+$0x2040 ss:$0x81] =	vst.msk $0xffff, v60  }
0x17: {  	s31 =	sand.u32 $0x7, s12;
	s13 =	sor.u32 s16, s13;
	[tilespmem:s15+$0x2850 ss:$0x81] =	vst.msk $0xffff, v61  }
0x18: {  	s12 =	sshll.u32 s31, $0x12;
	[tilespmem:s15+$0x3060 ss:$0x81] =	vst.msk $0xffff, v62;
	s13 =	sshrl.u32 s13, $0x3  }
0x19: {  	s12 =	sor.u32 $0x400, s12;
	[tilespmem:s15+$0x0 ss:$0x81] =	vst.msk $0xffff, v63;
	s13 =	sadd.s32 s3, s13  }
0x1a: {  	[hbm4b:s13+s12] =	stream.strided.scatter [tilespmem:s14], [sflag:$0x2], $0x4000, s8, s12, $0x20;
	[tilespmem:$0x10100] =	vst v63  }
.LBB1_5:
0x1b: {  	s14 =	sadd.s32 $0x80, s9  }
0x1c: {  	s12 =	sadd.s32 $0x1000, s10;
	s16 =	smov.u32 s10;
	p2 =	sgt.s32 s14, $0xFFF  }
0x1d: {  	s16 =	smov.u32 @p2 s12  }
0x1e: {  	s14 =	simm.s32 @p2 $0x0;
	p2 =	sgt.s32 s16, $0xFFF  }
0x1f: {  	s16 =	smov.u32 @p2 s2;
	p2 =	sne.s32 s11, s7  }
.Ltmp1:
0x20: {  	p1 =	slt.u32 s11, $0x2;
	(pc) =	sbr.rel @!p2 .LBB1_6-.Ltmp1, $4  }
0x21: {  	s15 =	simm.s32 @!p1 $0x2  }
0x22: {  	s13 =	smov.u32 s9;
	p0 =	por !p0, !p0;
	_ =	swait.ge @!p1 [sflag:s15], $0x4000  }
0x23: {  	s12 =	smov.u32 s10;
	[sflag:s15] =	ssyncset.done @!p1 $0x0;
	s9 =	smov.u32 s14  }
0x24: {  	s11 =	sadd.s32 $0x1, s11;
	[sflag:s15] =	ssyncadd.s32 @!p1 $0xFFFFC000;
	s10 =	smov.u32 s16  }
.LBB1_1:
0x25: {  	p1 =	sge.u32 s11, s5;
	s31 =	sadd.s32 $0xFFFFFFFF, s11  }
0x26: {  	s14 =	sand.u32 @!p1 $0x78, s9;
	s15 =	sshll.u32 @!p1 s10, $0xC;
	s16 =	sshll.u32 @!p1 s10, $0x7  }
0x27: {  	s17 =	sshll.u32 @!p1 s9, $0x3;
	s15 =	sand.u32 @!p1 $0xFF8000, s15;
	s16 =	sand.u32 @!p1 $0x380, s16  }
0x28: {  	s15 =	sadd.s32 @!p1 s15, s17;
	s17 =	sand.u32 @!p1 $0xC00, s17;
	s14 =	sor.u32 @!p1 s16, s14  }
0x29: {  	s16 =	sxor.u32 @!p1 $0xFFFFFFFF, s11;
	s15 =	sand.u32 @!p1 $0xFFF000, s15;
	s14 =	sor.u32 @!p1 s17, s14  }
0x2a: {  	s16 =	sshll.u32 @!p1 s16, $0xE;
	s14 =	sor.u32 @!p1 s15, s14;
	s15 =	sand.u32 @!p1 $0x7, s9  }
0x2b: {  	s17 =	simm.s32 @!p1 $0x8000;
	s14 =	sshrl.u32 @!p1 s14, $0x3;
	s15 =	sshll.u32 @!p1 s15, $0x12  }
0x2c: {  	s16 =	sand.u32 @!p1 $0x4000, s16;
	s14 =	sadd.s32 @!p1 s6, s14;
	s15 =	sor.u32 @!p1 $0x400, s15  }
0x2d: {  	[tilespmem:s16], [sflag:$0x1] =	stream.strided.gather @!p1 [hbm4b:s14+s15], $0x4000, s17, s15, $0x38;
	[tilespmem:$0x10100] =	vst v63  }
0x2e: {  	p1 =	sge.u32 s31, s5  }
.Ltmp2:
0x2f: {  	_ = 	snop;
	(pc) =	sbr.rel @p1 .LBB1_5-.Ltmp2, $1  }
0x30: {  	_ =	sdelay $0x3  }
0x31: {  	s14 =	simm.s32 $0x1  }
0x32: {  	_ =	swait.ge [sflag:s4], $0x4000;
	s14 =	simm.s32 @!p0 $0x0  }
0x33: {  	[sflag:s4] =	ssyncset.done $0x0;
	s15 =	sshll.u32 s14, $0xE  }
0x34: {  	[sflag:s4] =	ssyncadd.s32 $0xFFFFC000;
	s16 =	sor.u32 $0x40, s15  }
0x35: {  	s14 =	smul.u32 $0x10200, s14;
	v0 =	vld [tilespmem:s16+$0x30]  }
0x36: {  	v3 =	vld [tilespmem:s16+$0xFFFFFFD0]  }
0x37: {  	s14 =	sshrl.u32 s14, $0x2;
	v4 =	vld [tilespmem:s16+$0xFFFFFFE0]  }
0x38: {  	v5 =	vld [tilespmem:s16+$0xFFFFFFF0];
	s15 =	sor.u32 $0x8000, s14  }
0x39: {  	s31 =	sand.u32 $0x1, s11;
	v1 =	vld [tilespmem:s16+$0x0];
	s17 =	sadd.s32 $0x0, s15  }
0x3a: {  	v2 =	vld [tilespmem:s16+$0x10];
	s14 =	smul.u32 $0x10200, s31;
	[tilespmem:s17+$0x3870 ss:$0x81] =	vst.msk $0xffff, v0  }
0x3b: {  	[tilespmem:s17+$0x810 ss:$0x81] =	vst.msk $0xffff, v3;
	v3 =	vld [tilespmem:s16+$0x20]  }
0x3c: {  	s14 =	sshrl.u32 s14, $0x2;
	v0 =	vld [tilespmem:s16+$0xFFFFFFC0];
	[tilespmem:s17+$0x1020 ss:$0x81] =	vst.msk $0xffff, v4;
	s16 =	sadd.s32 $0x80, s16  }
0x3d: {  	s18 =	simm.s32 $0x4;
	s19 =	simm.s32 $0x8;
	s14 =	sor.u32 $0x8000, s14;
	[tilespmem:s17+$0x1830 ss:$0x81] =	vst.msk $0xffff, v5;
	v4 =	vld [tilespmem:s16+$0x30]  }
.LBB1_3:
0x3e: {  	p1 =	sne.s32 s19, $0x1FC;
	v5 =	vld [tilespmem:s16+$0xFFFFFFD0];
	[tilespmem:s17+$0x2040 ss:$0x81] =	vst.msk $0xffff, v1  }
0x3f: {  	v6 =	vld [tilespmem:s16+$0xFFFFFFE0];
	[tilespmem:s17+$0x2850 ss:$0x81] =	vst.msk $0xffff, v2  }
0x40: {  	s20 =	sshra.s32 s18, $0x2;
	s18 =	smov.u32 s19;
	v7 =	vld [tilespmem:s16+$0xFFFFFFF0];
	[tilespmem:s17+$0x3060 ss:$0x81] =	vst.msk $0xffff, v3  }
.Ltmp3:
0x41: {  	v1 =	vld [tilespmem:s16+$0x0];
	[tilespmem:s17+$0x0 ss:$0x81] =	vst.msk $0xffff, v0;
	s17 =	sadd.s32 s20, s15;
	(pc) =	sbr.rel @p1 .LBB1_3-.Ltmp3, $4  }
0x42: {  	v2 =	vld [tilespmem:s16+$0x10];
	[tilespmem:s17+$0x3870 ss:$0x81] =	vst.msk $0xffff, v4  }
0x43: {  	[tilespmem:s17+$0x810 ss:$0x81] =	vst.msk $0xffff, v5;
	v3 =	vld [tilespmem:s16+$0x20]  }
0x44: {  	v0 =	vld [tilespmem:s16+$0xFFFFFFC0];
	[tilespmem:s17+$0x1020 ss:$0x81] =	vst.msk $0xffff, v6;
	s16 =	sadd.s32 $0x80, s16  }
0x45: {  	s19 =	sadd.s32 $0x4, s19;
	v4 =	vld [tilespmem:s16+$0x30];
	[tilespmem:s17+$0x1830 ss:$0x81] =	vst.msk $0xffff, v7  }
.Ltmp4:
0x46: {  	_ = 	snop;
	(pc) =	sbr.rel .LBB1_4-.Ltmp4, $1  }
0x47: {  	_ =	sdelay $0x3  }
.LBB1_6:
0x48: {  	_ =	sfence.sel $0x180000  }
0x49: {  	s2 =	simm.s32 $0x1;
	[bflag:$0x0] =	sbarrier.arrive $0xFFFF  }
0x4a: {  	s31 =	simm.s32 $0x2;
	[sflag:s2] =	ssyncpa.u1 $0x1  }
0x4b: {  	[sflag:s31] =	ssyncpa.u1 $0x1  }
0x4c: {  	p0 =	sne.s32 s0, $0x0;
	_ =	strace $0x90000047  }
0x4d: {  	s0 =	sadd.s32 @!p0 $0x100000, s1;
	[bflag:$0x2] =	sbarrier.arrive $0xFFFF  }
0x4e: {  	[sflag:s0] =	ssyncadd.tile.s32 @!p0 $0x1;
	_ =	shalt  }
.Lfunc_end1:
_tile_overlayer_lowered:
.L_overlay_start_2:
0x4f: {  	(tag) =	ssettag $0x2  }
0x50: {  	s0 =	rddreg [dreg:$0x0];
	s2 =	stileid.u32  }
0x51: {  	s1 =	rddreg [dreg:$0x1];
	p0 =	sne.s32 s2, $0x0  }
0x52: {  	s3 =	rddreg [dreg:$0x2];
	[bflag:$0x3] =	sbarrier.arrive $0xFFFF;
	s2 =	simm.s32 @!p0 $0x1C01  }
0x53: {  	[timem:s3], [sflag:s2] =	dma.local @!p0 [hbm:s0], s1  }
0x54: {  	s0 =	simm.s32 @!p0 $0x1  }
0x55: {  	_ =	swait.ge @!p0 [sflag:s0], s1  }
0x56: {  	s1 =	ssub.s32 @!p0 $0x0, s1;
	[sflag:s0] =	ssyncset.done @!p0 $0x0  }
0x57: {  	[sflag:s0] =	ssyncadd.s32 @!p0 s1  }
0x58: {  	[bflag:$0x3] =	sbarrier.arrive $0xFFFF  }
0x59: {  	_ =	shalt  }

</sc_bundles>
